<compile_context>
chip_gen: v7x
topology: tpu7x:2x2x1
jax: 0.10.2.dev20260603
libtpu: 0.0.44.dev20260713+nightly
codegen_flags: <defaults>
</compile_context>

<pallas_src>
import functools

import jax
import jax.numpy as jnp
from jax import lax
from jax.experimental import pallas as pl
from jax.experimental.pallas import tpu as pltpu
from jax.experimental.pallas import tpu_sc as plsc

VOCAB = 100000
EMBED_DIM = 128
BATCH = 1024
SEQ = 200

NC = 2
NS = 16
NW = NC * NS

TOTAL = BATCH * SEQ
PER_W = TOTAL // NW
CHUNK = 128
NCH = PER_W // CHUNK
HALF = NCH // 2

_mesh = plsc.VectorSubcoreMesh(core_axis_name="c", subcore_axis_name="s")


@functools.partial(
    pl.kernel,
    out_type=jax.ShapeDtypeStruct((TOTAL // CHUNK, CHUNK, EMBED_DIM),
                                  jnp.float32),
    mesh=_mesh,
    scratch_types=[
        pltpu.VMEM((NCH, CHUNK), jnp.int32),
        pltpu.VMEM((CHUNK, EMBED_DIM), jnp.float32),
        pltpu.VMEM((CHUNK, EMBED_DIM), jnp.float32),
        pltpu.SemaphoreType.DMA,
        pltpu.SemaphoreType.DMA,
        pltpu.SemaphoreType.DMA,
        pltpu.SemaphoreType.DMA,
    ],
)
def _gather_kernel(table_hbm, ids_hbm, out_hbm,
                   idx_v, buf0, buf1, g0, g1, s0, s1):
    wid = lax.axis_index("s") * NC + lax.axis_index("c")
    cbase = wid * NCH

    pltpu.sync_copy(ids_hbm.at[wid], idx_v)

    def start_gather(ch, buf, sem):
        pltpu.async_copy(table_hbm.at[idx_v.at[ch]], buf, sem)

    def wait_gather(buf, sem):
        pltpu.make_async_copy(table_hbm.at[pl.ds(0, CHUNK)], buf, sem).wait()

    def start_scatter(ch, buf, sem):
        pltpu.async_copy(buf, out_hbm.at[cbase + ch], sem)

    def wait_scatter(buf, sem):
        pltpu.make_async_copy(buf, out_hbm.at[cbase], sem).wait()

    start_gather(0, buf0, g0)

    def body(t, carry):
        a = 2 * t

        @pl.when(t > 0)
        def _w1():
            wait_scatter(buf1, s1)

        start_gather(a + 1, buf1, g1)
        wait_gather(buf0, g0)
        start_scatter(a, buf0, s0)
        wait_scatter(buf0, s0)

        @pl.when(t < HALF - 1)
        def _w2():
            start_gather(a + 2, buf0, g0)

        wait_gather(buf1, g1)
        start_scatter(a + 1, buf1, s1)
        return carry

    lax.fori_loop(0, HALF, body, 0)
    wait_scatter(buf1, s1)


def _mask_body(am_ref, out_ref):
    out_ref[...] = am_ref[...] != 1


def kernel(input_ids, attention_mask, vocab_table):
    ids = input_ids.astype(jnp.int32).reshape(NW, NCH, CHUNK)
    gathered = _gather_kernel(vocab_table, ids)
    mask = pl.pallas_call(
        _mask_body,
        out_shape=jax.ShapeDtypeStruct((BATCH, SEQ), jnp.bool_),
    )(attention_mask)
    return gathered.reshape(BATCH, SEQ, EMBED_DIM), mask

# --- scband reference (transcript-rebuilt; emitter-appended) ---
"""Pipeline reference for scband-video-feats-bert-61246233641533 (READ-ONLY COPY).

The authoritative reference and input builder live on the scoring server;
editing this copy changes nothing except your own understanding.
"""

import jax, jax.numpy as jnp
import numpy as np

VOCAB = 100000
EMBED_DIM = 128
BATCH = 1024
SEQ = 200

def setup_inputs(seed: int = 0) -> dict:
    key = jax.random.key(seed)
    k_ids, k_tab = jax.random.split(key)
    input_ids = jax.random.randint(k_ids, (BATCH, SEQ), 0, VOCAB, dtype=jnp.int64 if jax.config.jax_enable_x64 else jnp.int32)
    attention_mask = jnp.ones((BATCH, SEQ), dtype=jnp.int32)
    vocab_table = jax.random.normal(k_tab, (VOCAB, EMBED_DIM), dtype=jnp.float32) * 0.02
    return {"input_ids": input_ids, "attention_mask": attention_mask, "vocab_table": vocab_table}

def reference(input_ids, attention_mask, vocab_table):
    # token_padding_mask = tokens['attention_mask'].ne(1).bool()
    token_padding_mask = attention_mask != 1
    # tokenized_feats = self.vocab(input_ids=tokens['input_ids'])  -> embedding lookup
    tokenized_feats = jnp.take(vocab_table, input_ids, axis=0)
    return (tokenized_feats, token_padding_mask)

if __name__ == "__main__":
    import jax
    _d = setup_inputs()
    print(jax.jit(kernel)(*tuple(_d.values())))

</pallas_src>

<mosaic_0001>
#map = affine_map<(d0, d1) -> (0, 0)>
#map1 = affine_map<(d0, d1) -> (0, 0, 0)>
module attributes {stable_mosaic.version = 14 : i64} {
  func.func @_gather_kernel(%arg0: i32, %arg1: i32, %arg2: memref<100000x128xf32, #tpu.memory_space<hbm>>, %arg3: memref<32x50x128xi32, #tpu.memory_space<hbm>>, %arg4: memref<1600x128x128xf32, #tpu.memory_space<hbm>>, %arg5: memref<50x128xi32, #tpu.memory_space<vmem>>, %arg6: memref<128x128xf32, #tpu.memory_space<vmem>>, %arg7: memref<128x128xf32, #tpu.memory_space<vmem>>, %arg8: memref<!tpu.dma_semaphore, #tpu.memory_space<semaphore_mem>>, %arg9: memref<!tpu.dma_semaphore, #tpu.memory_space<semaphore_mem>>, %arg10: memref<!tpu.dma_semaphore, #tpu.memory_space<semaphore_mem>>, %arg11: memref<!tpu.dma_semaphore, #tpu.memory_space<semaphore_mem>>) attributes {dimension_semantics = [#tpu.dimension_semantics<core_parallel>, #tpu.dimension_semantics<subcore_parallel>], iteration_bounds = array<i64: 2, 16>, scalar_prefetch = 0 : i64, scratch_operands = 7 : i64, tpu.core_type = #tpu.core_type<sc_vector_subcore>, window_params = [{transform_indices = #map}, {transform_indices = #map1}, {transform_indices = #map1}]} {
    %mul3A = arith.constant 2 : i32
    %mul3A_0 = arith.muli %arg1, %mul3A : i32
    %add3A = arith.addi %mul3A_0, %arg0 : i32
    %mul3A_1 = arith.constant 50 : i32
    %mul3A_2 = arith.muli %add3A, %mul3A_1 : i32
    "tpu.region"() ({
      %run_scoped3A = tpu.sem_alloc : memref<!tpu.dma_semaphore, #tpu.memory_space<semaphore_mem>>
      %dma_start3A_21 = arith.constant 0 : i32
      %dma_start3A_22 = arith.constant 0 : i32
      %dma_start3A_23 = tpu.memref_slice %arg3[%add3A, %dma_start3A_21, %dma_start3A_22] : memref<32x50x128xi32, #tpu.memory_space<hbm>> -> memref<1x50x128xi32, #tpu.memory_space<hbm>>
      %dma_start3A_24 = tpu.memref_squeeze %dma_start3A_23 : memref<1x50x128xi32, #tpu.memory_space<hbm>> -> memref<50x128xi32, #tpu.memory_space<hbm>>
      %dma_start3A_25 = arith.constant 0 : i32
      %dma_start3A_26 = arith.constant 0 : i32
      %dma_start3A_27 = tpu.memref_slice %arg3[%add3A, %dma_start3A_25, %dma_start3A_26] : memref<32x50x128xi32, #tpu.memory_space<hbm>> -> memref<1x50x128xi32, #tpu.memory_space<hbm>>
      %dma_start3A_28 = tpu.memref_squeeze %dma_start3A_27 : memref<1x50x128xi32, #tpu.memory_space<hbm>> -> memref<50x128xi32, #tpu.memory_space<hbm>>
      tpu.enqueue_dma source(%dma_start3A_28 : memref<50x128xi32, #tpu.memory_space<hbm>>) target(%arg5 : memref<50x128xi32, #tpu.memory_space<vmem>>) target_semaphore(%run_scoped3A : memref<!tpu.dma_semaphore, #tpu.memory_space<semaphore_mem>>)
      %dma_wait3A_29 = arith.constant 0 : i32
      %dma_wait3A_30 = arith.constant 0 : i32
      %dma_wait3A_31 = tpu.memref_slice %arg3[%add3A, %dma_wait3A_29, %dma_wait3A_30] : memref<32x50x128xi32, #tpu.memory_space<hbm>> -> memref<1x50x128xi32, #tpu.memory_space<hbm>>
      %dma_wait3A_32 = tpu.memref_squeeze %dma_wait3A_31 : memref<1x50x128xi32, #tpu.memory_space<hbm>> -> memref<50x128xi32, #tpu.memory_space<hbm>>
      %dma_wait3A_33 = arith.constant 0 : i32
      %dma_wait3A_34 = arith.constant 0 : i32
      %dma_wait3A_35 = tpu.memref_slice %arg3[%add3A, %dma_wait3A_33, %dma_wait3A_34] : memref<32x50x128xi32, #tpu.memory_space<hbm>> -> memref<1x50x128xi32, #tpu.memory_space<hbm>>
      %dma_wait3A_36 = tpu.memref_squeeze %dma_wait3A_35 : memref<1x50x128xi32, #tpu.memory_space<hbm>> -> memref<50x128xi32, #tpu.memory_space<hbm>>
      tpu.wait_dma2 semaphore(%run_scoped3A : memref<!tpu.dma_semaphore, #tpu.memory_space<semaphore_mem>>) src(%dma_wait3A_36 : memref<50x128xi32, #tpu.memory_space<hbm>>) dst(%arg5 : memref<50x128xi32, #tpu.memory_space<vmem>>)
      tpu.yield
    }) : () -> ()
    %dma_start3A = arith.constant 0 : i32
    %dma_start3A_3 = arith.constant 0 : i32
    %dma_start3A_4 = tpu.memref_slice %arg5[%dma_start3A, %dma_start3A_3] : memref<50x128xi32, #tpu.memory_space<vmem>> -> memref<1x128xi32, #tpu.memory_space<vmem>>
    %dma_start3A_5 = tpu.memref_squeeze %dma_start3A_4 : memref<1x128xi32, #tpu.memory_space<vmem>> -> memref<128xi32, #tpu.memory_space<vmem>>
    %dma_start3A_6 = arith.constant 0 : i32
    %dma_start3A_7 = arith.constant 0 : i32
    %dma_start3A_8 = tpu.memref_slice %arg2[%dma_start3A_6, %dma_start3A_7] : memref<100000x128xf32, #tpu.memory_space<hbm>> -> memref<100000x128xf32, #tpu.memory_space<hbm>>
    tpu.enqueue_indirect_dma source(%dma_start3A_8 : memref<100000x128xf32, #tpu.memory_space<hbm>>) target(%arg6 : memref<128x128xf32, #tpu.memory_space<vmem>>) offsets(%dma_start3A_5 : memref<128xi32, #tpu.memory_space<vmem>>) semaphore(%arg8 : memref<!tpu.dma_semaphore, #tpu.memory_space<semaphore_mem>>)
    %scan3A = arith.constant 0 : i32
    %scan3A_9 = arith.constant 0 : i32
    %scan3A_10 = arith.constant 25 : i32
    %scan3A_11 = arith.addi %scan3A_9, %scan3A_10 : i32
    %scan3A_12 = arith.constant 1 : i32
    scf.for %scan3A_21 = %scan3A_9 to %scan3A_11 step %scan3A_12  : i32 {
      %mul3A_22 = arith.constant 2 : i32
      %mul3A_23 = arith.muli %mul3A_22, %scan3A_21 : i32
      %gt3A = arith.constant 0 : i32
      %gt3A_24 = arith.cmpi sgt, %scan3A_21, %gt3A : i32
      %convert_element_type3A = arith.extui %gt3A_24 : i1 to i32
      %cond3A = arith.constant 0 : i32
      %cond3A_25 = arith.cmpi ne, %convert_element_type3A, %cond3A : i32
      scf.if %cond3A_25 {
        %dma_wait3A_78 = arith.constant 0 : i32
        %dma_wait3A_79 = arith.constant 0 : i32
        %dma_wait3A_80 = tpu.memref_slice %arg4[%mul3A_2, %dma_wait3A_78, %dma_wait3A_79] : memref<1600x128x128xf32, #tpu.memory_space<hbm>> -> memref<1x128x128xf32, #tpu.memory_space<hbm>>
        %dma_wait3A_81 = tpu.memref_squeeze %dma_wait3A_80 : memref<1x128x128xf32, #tpu.memory_space<hbm>> -> memref<128x128xf32, #tpu.memory_space<hbm>>
        %dma_wait3A_82 = arith.constant 0 : i32
        %dma_wait3A_83 = arith.constant 0 : i32
        %dma_wait3A_84 = tpu.memref_slice %arg4[%mul3A_2, %dma_wait3A_82, %dma_wait3A_83] : memref<1600x128x128xf32, #tpu.memory_space<hbm>> -> memref<1x128x128xf32, #tpu.memory_space<hbm>>
        %dma_wait3A_85 = tpu.memref_squeeze %dma_wait3A_84 : memref<1x128x128xf32, #tpu.memory_space<hbm>> -> memref<128x128xf32, #tpu.memory_space<hbm>>
        tpu.wait_dma2 semaphore(%arg11 : memref<!tpu.dma_semaphore, #tpu.memory_space<semaphore_mem>>) src(%arg7 : memref<128x128xf32, #tpu.memory_space<vmem>>) dst(%dma_wait3A_85 : memref<128x128xf32, #tpu.memory_space<hbm>>)
      } else {
      }
      %add3A_26 = arith.constant 1 : i32
      %add3A_27 = arith.addi %mul3A_23, %add3A_26 : i32
      %dma_start3A_28 = arith.constant 0 : i32
      %dma_start3A_29 = tpu.memref_slice %arg5[%add3A_27, %dma_start3A_28] : memref<50x128xi32, #tpu.memory_space<vmem>> -> memref<1x128xi32, #tpu.memory_space<vmem>>
      %dma_start3A_30 = tpu.memref_squeeze %dma_start3A_29 : memref<1x128xi32, #tpu.memory_space<vmem>> -> memref<128xi32, #tpu.memory_space<vmem>>
      %dma_start3A_31 = arith.constant 0 : i32
      %dma_start3A_32 = arith.constant 0 : i32
      %dma_start3A_33 = tpu.memref_slice %arg2[%dma_start3A_31, %dma_start3A_32] : memref<100000x128xf32, #tpu.memory_space<hbm>> -> memref<100000x128xf32, #tpu.memory_space<hbm>>
      tpu.enqueue_indirect_dma source(%dma_start3A_33 : memref<100000x128xf32, #tpu.memory_space<hbm>>) target(%arg7 : memref<128x128xf32, #tpu.memory_space<vmem>>) offsets(%dma_start3A_30 : memref<128xi32, #tpu.memory_space<vmem>>) semaphore(%arg9 : memref<!tpu.dma_semaphore, #tpu.memory_space<semaphore_mem>>)
      %dma_wait3A_34 = arith.constant 0 : i32
      %dma_wait3A_35 = arith.constant 0 : i32
      %dma_wait3A_36 = tpu.memref_slice %arg2[%dma_wait3A_34, %dma_wait3A_35] : memref<100000x128xf32, #tpu.memory_space<hbm>> -> memref<128x128xf32, #tpu.memory_space<hbm>>
      %dma_wait3A_37 = arith.constant 0 : i32
      %dma_wait3A_38 = arith.constant 0 : i32
      %dma_wait3A_39 = tpu.memref_slice %arg2[%dma_wait3A_37, %dma_wait3A_38] : memref<100000x128xf32, #tpu.memory_space<hbm>> -> memref<128x128xf32, #tpu.memory_space<hbm>>
      tpu.wait_dma2 semaphore(%arg8 : memref<!tpu.dma_semaphore, #tpu.memory_space<semaphore_mem>>) src(%dma_wait3A_39 : memref<128x128xf32, #tpu.memory_space<hbm>>) dst(%arg6 : memref<128x128xf32, #tpu.memory_space<vmem>>)
      %add3A_40 = arith.addi %mul3A_2, %mul3A_23 : i32
      %dma_start3A_41 = arith.constant 0 : i32
      %dma_start3A_42 = arith.constant 0 : i32
      %dma_start3A_43 = tpu.memref_slice %arg4[%add3A_40, %dma_start3A_41, %dma_start3A_42] : memref<1600x128x128xf32, #tpu.memory_space<hbm>> -> memref<1x128x128xf32, #tpu.memory_space<hbm>>
      %dma_start3A_44 = tpu.memref_squeeze %dma_start3A_43 : memref<1x128x128xf32, #tpu.memory_space<hbm>> -> memref<128x128xf32, #tpu.memory_space<hbm>>
      %dma_start3A_45 = arith.constant 0 : i32
      %dma_start3A_46 = arith.constant 0 : i32
      %dma_start3A_47 = tpu.memref_slice %arg4[%add3A_40, %dma_start3A_45, %dma_start3A_46] : memref<1600x128x128xf32, #tpu.memory_space<hbm>> -> memref<1x128x128xf32, #tpu.memory_space<hbm>>
      %dma_start3A_48 = tpu.memref_squeeze %dma_start3A_47 : memref<1x128x128xf32, #tpu.memory_space<hbm>> -> memref<128x128xf32, #tpu.memory_space<hbm>>
      tpu.enqueue_dma source(%arg6 : memref<128x128xf32, #tpu.memory_space<vmem>>) target(%dma_start3A_48 : memref<128x128xf32, #tpu.memory_space<hbm>>) target_semaphore(%arg10 : memref<!tpu.dma_semaphore, #tpu.memory_space<semaphore_mem>>)
      %dma_wait3A_49 = arith.constant 0 : i32
      %dma_wait3A_50 = arith.constant 0 : i32
      %dma_wait3A_51 = tpu.memref_slice %arg4[%mul3A_2, %dma_wait3A_49, %dma_wait3A_50] : memref<1600x128x128xf32, #tpu.memory_space<hbm>> -> memref<1x128x128xf32, #tpu.memory_space<hbm>>
      %dma_wait3A_52 = tpu.memref_squeeze %dma_wait3A_51 : memref<1x128x128xf32, #tpu.memory_space<hbm>> -> memref<128x128xf32, #tpu.memory_space<hbm>>
      %dma_wait3A_53 = arith.constant 0 : i32
      %dma_wait3A_54 = arith.constant 0 : i32
      %dma_wait3A_55 = tpu.memref_slice %arg4[%mul3A_2, %dma_wait3A_53, %dma_wait3A_54] : memref<1600x128x128xf32, #tpu.memory_space<hbm>> -> memref<1x128x128xf32, #tpu.memory_space<hbm>>
      %dma_wait3A_56 = tpu.memref_squeeze %dma_wait3A_55 : memref<1x128x128xf32, #tpu.memory_space<hbm>> -> memref<128x128xf32, #tpu.memory_space<hbm>>
      tpu.wait_dma2 semaphore(%arg10 : memref<!tpu.dma_semaphore, #tpu.memory_space<semaphore_mem>>) src(%arg6 : memref<128x128xf32, #tpu.memory_space<vmem>>) dst(%dma_wait3A_56 : memref<128x128xf32, #tpu.memory_space<hbm>>)
      %lt3A = arith.constant 24 : i32
      %lt3A_57 = arith.cmpi slt, %scan3A_21, %lt3A : i32
      %convert_element_type3A_58 = arith.extui %lt3A_57 : i1 to i32
      %cond3A_59 = arith.constant 0 : i32
      %cond3A_60 = arith.cmpi ne, %convert_element_type3A_58, %cond3A_59 : i32
      scf.if %cond3A_60 {
        %add3A_78 = arith.constant 2 : i32
        %add3A_79 = arith.addi %mul3A_23, %add3A_78 : i32
        %dma_start3A_80 = arith.constant 0 : i32
        %dma_start3A_81 = tpu.memref_slice %arg5[%add3A_79, %dma_start3A_80] : memref<50x128xi32, #tpu.memory_space<vmem>> -> memref<1x128xi32, #tpu.memory_space<vmem>>
        %dma_start3A_82 = tpu.memref_squeeze %dma_start3A_81 : memref<1x128xi32, #tpu.memory_space<vmem>> -> memref<128xi32, #tpu.memory_space<vmem>>
        %dma_start3A_83 = arith.constant 0 : i32
        %dma_start3A_84 = arith.constant 0 : i32
        %dma_start3A_85 = tpu.memref_slice %arg2[%dma_start3A_83, %dma_start3A_84] : memref<100000x128xf32, #tpu.memory_space<hbm>> -> memref<100000x128xf32, #tpu.memory_space<hbm>>
        tpu.enqueue_indirect_dma source(%dma_start3A_85 : memref<100000x128xf32, #tpu.memory_space<hbm>>) target(%arg6 : memref<128x128xf32, #tpu.memory_space<vmem>>) offsets(%dma_start3A_82 : memref<128xi32, #tpu.memory_space<vmem>>) semaphore(%arg8 : memref<!tpu.dma_semaphore, #tpu.memory_space<semaphore_mem>>)
      } else {
      }
      %dma_wait3A_61 = arith.constant 0 : i32
      %dma_wait3A_62 = arith.constant 0 : i32
      %dma_wait3A_63 = tpu.memref_slice %arg2[%dma_wait3A_61, %dma_wait3A_62] : memref<100000x128xf32, #tpu.memory_space<hbm>> -> memref<128x128xf32, #tpu.memory_space<hbm>>
      %dma_wait3A_64 = arith.constant 0 : i32
      %dma_wait3A_65 = arith.constant 0 : i32
      %dma_wait3A_66 = tpu.memref_slice %arg2[%dma_wait3A_64, %dma_wait3A_65] : memref<100000x128xf32, #tpu.memory_space<hbm>> -> memref<128x128xf32, #tpu.memory_space<hbm>>
      tpu.wait_dma2 semaphore(%arg9 : memref<!tpu.dma_semaphore, #tpu.memory_space<semaphore_mem>>) src(%dma_wait3A_66 : memref<128x128xf32, #tpu.memory_space<hbm>>) dst(%arg7 : memref<128x128xf32, #tpu.memory_space<vmem>>)
      %add3A_67 = arith.constant 1 : i32
      %add3A_68 = arith.addi %mul3A_23, %add3A_67 : i32
      %add3A_69 = arith.addi %mul3A_2, %add3A_68 : i32
      %dma_start3A_70 = arith.constant 0 : i32
      %dma_start3A_71 = arith.constant 0 : i32
      %dma_start3A_72 = tpu.memref_slice %arg4[%add3A_69, %dma_start3A_70, %dma_start3A_71] : memref<1600x128x128xf32, #tpu.memory_space<hbm>> -> memref<1x128x128xf32, #tpu.memory_space<hbm>>
      %dma_start3A_73 = tpu.memref_squeeze %dma_start3A_72 : memref<1x128x128xf32, #tpu.memory_space<hbm>> -> memref<128x128xf32, #tpu.memory_space<hbm>>
      %dma_start3A_74 = arith.constant 0 : i32
      %dma_start3A_75 = arith.constant 0 : i32
      %dma_start3A_76 = tpu.memref_slice %arg4[%add3A_69, %dma_start3A_74, %dma_start3A_75] : memref<1600x128x128xf32, #tpu.memory_space<hbm>> -> memref<1x128x128xf32, #tpu.memory_space<hbm>>
      %dma_start3A_77 = tpu.memref_squeeze %dma_start3A_76 : memref<1x128x128xf32, #tpu.memory_space<hbm>> -> memref<128x128xf32, #tpu.memory_space<hbm>>
      tpu.enqueue_dma source(%arg7 : memref<128x128xf32, #tpu.memory_space<vmem>>) target(%dma_start3A_77 : memref<128x128xf32, #tpu.memory_space<hbm>>) target_semaphore(%arg11 : memref<!tpu.dma_semaphore, #tpu.memory_space<semaphore_mem>>)
    }
    %scan3A_13 = arith.constant 25 : i32
    %dma_wait3A = arith.constant 0 : i32
    %dma_wait3A_14 = arith.constant 0 : i32
    %dma_wait3A_15 = tpu.memref_slice %arg4[%mul3A_2, %dma_wait3A, %dma_wait3A_14] : memref<1600x128x128xf32, #tpu.memory_space<hbm>> -> memref<1x128x128xf32, #tpu.memory_space<hbm>>
    %dma_wait3A_16 = tpu.memref_squeeze %dma_wait3A_15 : memref<1x128x128xf32, #tpu.memory_space<hbm>> -> memref<128x128xf32, #tpu.memory_space<hbm>>
    %dma_wait3A_17 = arith.constant 0 : i32
    %dma_wait3A_18 = arith.constant 0 : i32
    %dma_wait3A_19 = tpu.memref_slice %arg4[%mul3A_2, %dma_wait3A_17, %dma_wait3A_18] : memref<1600x128x128xf32, #tpu.memory_space<hbm>> -> memref<1x128x128xf32, #tpu.memory_space<hbm>>
    %dma_wait3A_20 = tpu.memref_squeeze %dma_wait3A_19 : memref<1x128x128xf32, #tpu.memory_space<hbm>> -> memref<128x128xf32, #tpu.memory_space<hbm>>
    tpu.wait_dma2 semaphore(%arg11 : memref<!tpu.dma_semaphore, #tpu.memory_space<semaphore_mem>>) src(%arg7 : memref<128x128xf32, #tpu.memory_space<vmem>>) dst(%dma_wait3A_20 : memref<128x128xf32, #tpu.memory_space<hbm>>)
    return
  }
}

module attributes {stable_mosaic.version = 14 : i64} {
  func.func @_mask_body(%arg0: memref<1024x200xi32, #tpu.memory_space<vmem>>, %arg1: memref<1024x200xi32, #tpu.memory_space<vmem>>) attributes {dimension_semantics = [], scalar_prefetch = 0 : i64, scratch_operands = 0 : i64, tpu.core_type = #tpu.core_type<tc>} {
    %get3A = arith.constant 0 : index
    %get3A_0 = arith.constant 0 : index
    %get3A_1 = vector.load %arg0[%get3A, %get3A_0] : memref<1024x200xi32, #tpu.memory_space<vmem>>, vector<1024x200xi32>
    %ne3A = arith.constant 1 : i32
    %ne3A_2 = vector.broadcast %ne3A : i32 to vector<1024x200xi32>
    %ne3A_3 = arith.cmpi ne, %get3A_1, %ne3A_2 : vector<1024x200xi32>
    %swap3A = arith.constant 0 : index
    %swap3A_4 = arith.constant 0 : index
    %swap3A_5 = vector.load %arg1[%swap3A, %swap3A_4] : memref<1024x200xi32, #tpu.memory_space<vmem>>, vector<1024x200xi32>
    %swap3A_6 = arith.extui %ne3A_3 : vector<1024x200xi1> to vector<1024x200xi32>
    %swap3A_7 = arith.constant dense<0> : vector<1024x200xi32>
    %swap3A_8 = arith.cmpi ne, %swap3A_5, %swap3A_7 : vector<1024x200xi32>
    tpu.vector_store %arg1[%swap3A, %swap3A_4], %swap3A_6 {strides = array<i32>} : memref<1024x200xi32, #tpu.memory_space<vmem>>, vector<1024x200xi32>,
    return
  }
}

</mosaic_0001>

<sc_bundles>
// kernel: kernel.4.cloned.1.call-start
scs
__scs_entry_jumppad:
0x0: {  	(pc) =	sbr.rel $0x88, $3  }
0x1: {  	(tag) =	ssettag $0x0;
	lr =	simm.s32 $0x1  }
0x2: {  	[smem:$0x3F9E] =	sst lr;
	_ =	strace $0xD0000000  }
0x3: {  	_ = 	snop  }
0x4: {  	_ = 	snop  }
0x5: {  	_ = 	snop  }
0x6: {  	_ = 	snop  }
0x7: {  	_ = 	snop  }
__scs_overlays_trampoline_lowered:
0x8: {  	[smem:$0x3FAD] =	sst s0  }
0x9: {  	[smem:$0x3FAE] =	sst s1  }
0xa: {  	[smem:$0x3FAF] =	sst s2  }
0xb: {  	[smem:$0x3FB0] =	sst s3  }
0xc: {  	[smem:$0x3FB1] =	sst s4  }
0xd: {  	[smem:$0x3FB2] =	sst s5  }
0xe: {  	[smem:$0x3FB3] =	sst s6  }
0xf: {  	[smem:$0x3FB4] =	sst s7  }
0x10: {  	[smem:$0x3FB5] =	sst s8  }
0x11: {  	[smem:$0x3FB6] =	sst s9;
	s0 =	simm.s32 @!p0 $0x0  }
0x12: {  	s1 =	sld [smem:$0x3F9C];
	s0 =	simm.s32 @p0 $0x1  }
0x13: {  	[smem:$0x3FB7] =	sst s0;
	s0 =	simm.s32 @!p1 $0x0  }
0x14: {  	s2 =	sld [smem:$0x3F9B];
	s0 =	simm.s32 @p1 $0x1  }
0x15: {  	[smem:$0x3FB8] =	sst s0;
	s0 =	simm.s32 @!p2 $0x0  }
0x16: {  	s3 =	sld [smem:$0x3FDB];
	s0 =	simm.s32 @p2 $0x1  }
0x17: {  	s4 =	simm.s32 $0x1BF5;
	[smem:$0x3FBA] =	sst s0  }
0x18: {  	s0 =	sld [smem:$0x3F9D];
	_ =	swait.ge [sflag:s4], $0x0  }
0x19: {  	s7 =	sld [smem:$0x3F9E]  }
0x1a: {  	s8 =	sadd.s32 $0xFFFFE003, lr  }
0x1b: {  	s9 =	sadd.s32 $0xFFFFFEF7, lr;
	s5 =	simm.s32 $0xFFFFFFFF;
	p2 =	slt.u32 s8, $0xFFFFF086  }
0x1c: {  	p1 =	slt.u32 s9, $0xF7A;
	s5 =	simm.s32 @!p2 $0x0  }
0x1d: {  	s5 =	simm.s32 @p1 $0x1;
	p0 =	seq.s32 s7, s2  }
0x1e: {  	s7 =	smul.u32 @!p0 $0xF7A, s2;
	p2 =	seq.s32 @!p0 s5, $0x0  }
0x1f: {  	s9 =	smul.u32 $0xF7A, s1;
	s8 =	simm.s32 @!p0 $0x1BF5;
	p2 =	por !p2, p0  }
0x20: {  	[sflag:s8] =	ssyncset.s32 @!p0 $0xFFFFF086;
	s6 =	sadd.s32 @!p0 s3, s7;
	s7 =	simm.s32 @!p0 $0x108  }
0x21: {  	s3 =	sadd.s32 s3, s9;
	s6 =	sadd.s32 @!p0 $0x88, s6;
	s7 =	simm.s32 @p2 $0x1082  }
0x22: {  	[simem:s7], [sflag:s8] =	dma.local @!p0 [hbm:s6], $0xF7A  }
0x23: {  	s9 =	sor.u32 $0xD0000000, s2;
	s6 =	simm.s32 $0x108;
	_ =	swait.ge @!p0 [sflag:s8], $0x0  }
0x24: {  	s3 =	sadd.s32 $0x88, s3;
	s6 =	simm.s32 @!p1 $0x1082;
	[sflag:s4] =	ssyncset.s32 $0xFFFFF086  }
0x25: {  	[simem:s6], [sflag:s4] =	dma.local [hbm:s3], $0xF7A  }
0x26: {  	[smem:$0x3F9E] =	sst s1;
	(tag) =	ssettag s2;
	_ =	strace s9  }
0x27: {  	s1 =	sld [smem:$0x3FAE]  }
0x28: {  	s2 =	sld [smem:$0x3FAF]  }
0x29: {  	s4 =	sld [smem:$0x3FB1]  }
0x2a: {  	p0 =	seq.s32 s5, $0x0;
	s5 =	sld [smem:$0x3FB2]  }
0x2b: {  	s6 =	sld [smem:$0x3FB3]  }
0x2c: {  	s7 =	sld [smem:$0x3FB4]  }
0x2d: {  	s3 =	simm.s32 $0x108;
	s8 =	sld [smem:$0x3FB5]  }
0x2e: {  	s3 =	simm.s32 @!p0 $0x1082;
	s9 =	sld [smem:$0x3FB6]  }
0x2f: {  	lr =	sadd.s32 s0, s3;
	s0 =	sld [smem:$0x3FAD]  }
0x30: {  	s3 =	sld [smem:$0x3FB0]  }
0x31: {  	[smem:$0x3FB9] =	sst s10  }
0x32: {  	s10 =	sld [smem:$0x3FB7];
	_ =	sdelay $0x3  }
0x33: {  	p0 =	seq.s32 s10, $0x1;
	s10 =	sld [smem:$0x3FB9];
	_ =	sdelay $0x3  }
0x34: {  	[smem:$0x3FB9] =	sst s10  }
0x35: {  	s10 =	sld [smem:$0x3FB8];
	_ =	sdelay $0x3  }
0x36: {  	p1 =	seq.s32 s10, $0x1;
	s10 =	sld [smem:$0x3FB9];
	_ =	sdelay $0x3  }
0x37: {  	[smem:$0x3FB9] =	sst s10  }
0x38: {  	s10 =	sld [smem:$0x3FBA]  }
0x39: {  	_ = 	snop;
	(pc) =	sbr.ind lr, $3  }
0x3a: {  	_ = 	snop  }
0x3b: {  	_ = 	snop  }
0x3c: {  	p2 =	seq.s32 s10, $0x1;
	s10 =	sld [smem:$0x3FB9]  }
0x3d: {  	_ =	shalt  }
0x3e: {  	_ =	shalt  }
0x3f: {  	_ =	shalt  }
0x40: {  	_ =	shalt  }
0x41: {  	_ =	shalt  }
0x42: {  	_ =	shalt  }
0x43: {  	_ =	shalt  }
0x44: {  	_ =	shalt  }
0x45: {  	_ =	shalt  }
0x46: {  	_ =	shalt  }
0x47: {  	_ =	shalt  }
0x48: {  	_ =	shalt  }
0x49: {  	_ =	shalt  }
0x4a: {  	_ =	shalt  }
0x4b: {  	_ =	shalt  }
0x4c: {  	_ =	shalt  }
0x4d: {  	_ =	shalt  }
0x4e: {  	_ =	shalt  }
0x4f: {  	_ =	shalt  }
0x50: {  	_ =	shalt  }
0x51: {  	_ =	shalt  }
0x52: {  	_ =	shalt  }
0x53: {  	_ =	shalt  }
0x54: {  	_ =	shalt  }
0x55: {  	_ =	shalt  }
0x56: {  	_ =	shalt  }
0x57: {  	_ =	shalt  }
0x58: {  	_ =	shalt  }
0x59: {  	_ =	shalt  }
0x5a: {  	_ =	shalt  }
0x5b: {  	_ =	shalt  }
0x5c: {  	_ =	shalt  }
0x5d: {  	_ =	shalt  }
0x5e: {  	_ =	shalt  }
0x5f: {  	_ =	shalt  }
0x60: {  	_ =	shalt  }
0x61: {  	_ =	shalt  }
0x62: {  	_ =	shalt  }
0x63: {  	_ =	shalt  }
0x64: {  	_ =	shalt  }
0x65: {  	_ =	shalt  }
0x66: {  	_ =	shalt  }
0x67: {  	_ =	shalt  }
0x68: {  	_ =	shalt  }
0x69: {  	_ =	shalt  }
0x6a: {  	_ =	shalt  }
0x6b: {  	_ =	shalt  }
0x6c: {  	_ =	shalt  }
0x6d: {  	_ =	shalt  }
0x6e: {  	_ =	shalt  }
0x6f: {  	_ =	shalt  }
0x70: {  	_ =	shalt  }
0x71: {  	_ =	shalt  }
0x72: {  	_ =	shalt  }
0x73: {  	_ =	shalt  }
0x74: {  	_ =	shalt  }
0x75: {  	_ =	shalt  }
0x76: {  	_ =	shalt  }
0x77: {  	_ =	shalt  }
0x78: {  	_ =	shalt  }
0x79: {  	_ =	shalt  }
0x7a: {  	_ =	shalt  }
0x7b: {  	_ =	shalt  }
0x7c: {  	_ =	shalt  }
0x7d: {  	_ =	shalt  }
0x7e: {  	_ =	shalt  }
0x7f: {  	_ =	shalt  }
0x80: {  	_ =	shalt  }
0x81: {  	_ =	shalt  }
0x82: {  	_ =	shalt  }
0x83: {  	_ =	shalt  }
0x84: {  	_ =	shalt  }
0x85: {  	_ =	shalt  }
0x86: {  	_ =	shalt  }
0x87: {  	_ =	shalt  }
.Lfunc_end0:
.L_simem_size_0:
called_computation_lowered:
.L_overlay_start_0:
0x88: {  	s2 =	sld [smem:$0x3FD9]  }
0x89: {  	s3 =	sld [smem:$0x3FFE];
	_ =	sdelay $0x1  }
0x8a: {  	s1 =	srdreg.scid  }
0x8b: {  	s0 =	sand.u32 $0x1, s1  }
0x8c: {  	s14 =	sshll.u32 s0, $0xA;
	s2 =	sadd.s32 s3, s2  }
0x8d: {  	s2 =	sadd.s32 s2, s14  }
0x8e: {  	[smem:$0x3FC5] =	sst s2  }
0x8f: {  	_ = 	snop  }
0x90: {  	s2 =	sld [smem:$0x3FD0];
	_ =	sdelay $0x2  }
0x91: {  	s4 =	simm.s32 $0xA;
	s5 =	simm.s32 $0x10;
	s15 =	sld [smem:$0x3FC7]  }
0x92: {  	[smem:s5], [sflag:s4] =	dma.local [hbm:s2], $0x1  }
0x93: {  	_ =	swait.eq [sflag:s4], $0x1  }
0x94: {  	[sflag:s4] =	ssyncset.done $0x0  }
0x95: {  	[sflag:s4] =	ssyncadd.s32 $0xFFFFFFFF  }
0x96: {  	s16 =	sld [smem:$0x10];
	(tm) =	ssettm $0x1  }
0x97: {  	s17 =	sld [smem:$0x3FFB];
	_ =	sdelay $0x3  }
0x98: {  	_ =	strace s17  }
0x99: {  	s4 =	sld [smem:$0x3FFC];
	_ =	sdelay $0x3  }
0x9a: {  	_ =	strace s4  }
0x9b: {  	s4 =	sld [smem:$0x3FFD];
	_ =	sdelay $0x3  }
0x9c: {  	_ =	strace s4  }
0x9d: {  	_ =	strace $0x8FFFFFFF  }
0x9e: {  	s18 =	sld [smem:$0x3FDB];
	_ =	sdelay $0x1  }
0x9f: {  	s19 =	simm.s32 $_scs_section_size  }
0xa0: {  	s6 =	simm.s32 $_size__tile_overlayer_lowered;
	s7 =	simm.s32 $_tile_overlayer_lowered  }
0xa1: {  	s22 =	simm.s32 $0x1BFF;
	s21 =	sshll.u32 s7, $0x1;
	s4 =	sadd.s32 s19, s18  }
0xa2: {  	s8 =	simm.s32 $0x0;
	s20 =	sshll.u32 s6, $0x1;
	s6 =	sadd.s32 s21, s4  }
0xa3: {  	[timem:s8], [sflag:s22] =	dma.local [hbm:s6], s20  }
0xa4: {  	_ =	swait.ge [sflag:s22], s20  }
0xa5: {  	s5 =	ssub.s32 $0x0, s20;
	[sflag:s22] =	ssyncset.done $0x0  }
0xa6: {  	[sflag:s22] =	ssyncadd.s32 s5;
	_ =	sdelay $0x1  }
0xa7: {  	s23 =	simm.s32 $0x1B8B  }
0xa8: {  	_ =	swait.ge [sflag:s23], $0x1  }
0xa9: {  	[sflag:s23] =	ssyncset.done $0x0  }
0xaa: {  	s25 =	simm.s32 $0x1B8E;
	s24 =	sld [smem:$0x3FFE];
	[sflag:s23] =	ssyncadd.s32 $0xFFFFFFFF  }
0xab: {  	s26 =	simm.s32 $execute0_lowered;
	[smem:$0x3FD2] =	sst s25  }
0xac: {  	s6 =	sshll.u32 s26, $0x1;
	_ =	strace $0x80000046;
	[dreg:$0x1] =	wrdreg $0xFFFFFFFF  }
0xad: {  	s28 =	simm.s32 $_size_execute0_lowered;
	s4 =	sadd.s32 s4, s6;
	[dreg:$0x0] =	wrdreg $0x0  }
0xae: {  	s6 =	sshll.u32 s28, $0x1;
	[dreg:$0x2] =	wrdreg s4  }
0xaf: {  	[dreg:$0x3] =	wrdreg s6  }
0xb0: {  	[dreg:$0x4] =	wrdreg $0xC0  }
0xb1: {  	_ =	task [dreg:s8], $0x5FFFF  }
0xb2: {  	[dreg:$0x1] =	wrdreg $0xFFFFFFFF  }
0xb3: {  	[dreg:$0x0] =	wrdreg $0x60  }
0xb4: {  	[dreg:$0x2] =	wrdreg s15  }
0xb5: {  	[dreg:$0x3] =	wrdreg s24  }
0xb6: {  	[dreg:$0x4] =	wrdreg s16  }
0xb7: {  	[dreg:$0x5] =	wrdreg $0x9  }
0xb8: {  	_ =	task.clear_ibuf [dreg:s8], $0x6FFFF;
	_ =	strace $0x90000046  }
0xb9: {  	s29 =	simm.s32 $0x9;
	_ =	strace $0x80000048  }
0xba: {  	_ =	swait.ge [sflag:s29], $0x1  }
0xbb: {  	[sflag:s29] =	ssyncadd.s32 $0xFFFFFFFF  }
0xbc: {  	_ =	strace $0x90000048  }
0xbd: {  	_ =	sfence  }
0xbe: {  	s30 =	sld [smem:$0x0];
	_ =	sdelay $0x2  }
0xbf: {  	s31 =	sshll.u32 s1, $0xD;
	s1 =	sshrl.u32 s1, $0x2  }
0xc0: {  	s3 =	sand.u32 $0x4000, s31;
	s1 =	sadd.s32 s1, s30  }
0xc1: {  	s0 =	sor.u32 s3, s0;
	s1 =	sshll.u32 s1, $0x11  }
0xc2: {  	s0 =	sor.u32 s1, s0  }
0xc3: {  	s0 =	sadd.s32 $0x8F2B, s0  }
0xc4: {  	[sflag:s0] =	ssyncadd.remote.s32 $0x1  }
0xc5: {  	_ =	sfence.sel $0xFFFF  }
0xc6: {  	[dreg:$0x0] =	wrdreg $0xFFFFFFFF;
	(pc) =	sbr.abs _section_cstart, $3  }
0xc7: {  	[dreg:$0x1] =	wrdreg $0xFFFFFFFF  }
0xc8: {  	_ =	task.clear_ibuf [dreg:s8], $0x2FFFF;
	_ =	strace $0x9FFFFFFF  }
0xc9: {  	(tm) =	ssettm $0x7FFFFFFF  }
tec
execute0_lowered:
.L_overlay_start_1:
0x0: {  	(tag) =	ssettag $0x1  }
0x1: {  	s1 =	rddreg [dreg:$0x0];
	s2 =	srdreg.scid  }
0x2: {  	s0 =	stileid.u32;
	s4 =	rddreg [dreg:$0x1]  }
0x3: {  	s9 =	rddreg [dreg:$0x2];
	s3 =	simm.s32 $0x0;
	s13 =	simm.s32 $0x80  }
0x4: {  	s14 =	simm.s32 $0x1C00;
	s15 =	simm.s32 $0x5C00;
	s16 =	simm.s32 $0x1  }
0x5: {  	s17 =	simm.s32 $0x3;
	s18 =	simm.s32 $0x100;
	s19 =	simm.s32 $0x2  }
0x6: {  	s20 =	simm.s32 $0x4;
	s21 =	simm.s32 $0x1880;
	s11 =	smul.u32 $0x64, s0  }
0x7: {  	s22 =	simm.s32 $0x0;
	s8 =	sand.u32 $0x1, s2;
	s31 =	smul.u32 $0x32000, s0  }
0x8: {  	s26 =	sshll.u32 s0, $0x1;
	s2 =	rddreg [dreg:$0x3];
	s29 =	smul.u32 $0x32, s8  }
0x9: {  	s5 =	sor.u32 s8, s26;
	s7 =	ssub.s32 $0x2, s8;
	s12 =	smul.u32 $0x19000, s8  }
0xa: {  	[smem:$0x7FF] =	sst s3;
	s6 =	smul.u32 $0x380, s5;
	s28 =	sshrl.u32 s7, $0x1  }
0xb: {  	_ =	strace $0x80000047;
	s10 =	smul.u32 $0x19000, s5;
	s5 =	ssub.s32 s7, s28  }
0xc: {  	s30 =	sadd.s32 s29, s11;
	s11 =	sadd.s32 s31, s9;
	s4 =	sadd.s32 s6, s4  }
0xd: {  	s5 =	smax.u32 s5, $0x1;
	s6 =	sadd.s32 s9, s10;
	s10 =	sshll.u32 s30, $0xB  }
0xe: {  	s11 =	sadd.s32 s12, s11;
	s12 =	simm.s32 $0x5;
	s4 =	sadd.s32 $0x600, s4  }
0xf: {  	s7 =	sadd.s32 $0x800, s6;
	s8 =	sadd.s32 $0x18000, s6;
	s10 =	sadd.s32 s9, s10  }
0x10: {  	s9 =	sadd.s32 $0x18800, s6;
	s11 =	sadd.s32 $0x1000, s11;
	s10 =	sadd.s32 $0x1800, s10  }
.LBB2_1:
0x11: {  	[tilespmem:s3], [sflag:$0x5] =	stream.linear.gather [hbm4b:s4+s3], $0x1900, $0x38;
	[tilespmem:$0x9C00] =	vst v63  }
0x12: {  	_ =	swait.ge [sflag:s12], $0x1900  }
0x13: {  	[sflag:s12] =	ssyncset.done $0x0  }
0x14: {  	[sflag:s12] =	ssyncadd.s32 $0xFFFFE700  }
0x15: {  	[tilespmem:s14], [sflag:$0x1] =	stream.indirect.gather [hbm4b:s1+s13], $0x80, s3, s13, $0xb8;
	[tilespmem:$0x9C00] =	vst v63  }
0x16: {  	_ = 	snop  }
0x17: {  	[tilespmem:s15], [sflag:$0x2] =	stream.indirect.gather [hbm4b:s1+s13], $0x80, s13, s13, $0xb8;
	[tilespmem:$0x9C00] =	vst v63  }
0x18: {  	_ =	swait.ge [sflag:s16], $0x4000  }
0x19: {  	[sflag:s16] =	ssyncset.done $0x0  }
0x1a: {  	[sflag:s16] =	ssyncadd.s32 $0xFFFFC000  }
0x1b: {  	[hbm4b:s6+s3] =	stream.linear.scatter [tilespmem:s14], [sflag:$0x3], $0x4000, $0x38;
	[tilespmem:$0x9C00] =	vst v63  }
0x1c: {  	_ =	swait.ge [sflag:s17], $0x4000  }
0x1d: {  	[sflag:s17] =	ssyncset.done $0x0  }
0x1e: {  	[sflag:s17] =	ssyncadd.s32 $0xFFFFC000  }
0x1f: {  	[tilespmem:s14], [sflag:$0x1] =	stream.indirect.gather [hbm4b:s1+s13], $0x80, s18, s13, $0xb8;
	[tilespmem:$0x9C00] =	vst v63  }
0x20: {  	_ =	swait.ge [sflag:s19], $0x4000  }
0x21: {  	[sflag:s19] =	ssyncset.done $0x0  }
0x22: {  	[sflag:s19] =	ssyncadd.s32 $0xFFFFC000  }
0x23: {  	[hbm4b:s7+s3] =	stream.linear.scatter [tilespmem:s15], [sflag:$0x4], $0x4000, $0x38;
	[tilespmem:$0x9C00] =	vst v63  }
0x24: {  	_ =	swait.ge [sflag:s20], $0x4000  }
0x25: {  	[sflag:s20] =	ssyncset.done $0x0  }
0x26: {  	s23 =	simm.s32 $0x180;
	[sflag:s20] =	ssyncadd.s32 $0xFFFFC000  }
0x27: {  	[tilespmem:s15], [sflag:$0x2] =	stream.indirect.gather [hbm4b:s1+s13], $0x80, s23, s13, $0xb8;
	[tilespmem:$0x9C00] =	vst v63  }
0x28: {  	_ =	swait.ge [sflag:s16], $0x4000  }
0x29: {  	[sflag:s16] =	ssyncset.done $0x0  }
0x2a: {  	s30 =	sadd.s32 $0x0, s11;
	[sflag:s16] =	ssyncadd.s32 $0xFFFFC000  }
0x2b: {  	[hbm4b:s30+s3] =	stream.linear.scatter [tilespmem:s14], [sflag:$0x3], $0x4000, $0x38;
	[tilespmem:$0x9C00] =	vst v63  }
0x2c: {  	_ =	swait.ge [sflag:s17], $0x4000  }
0x2d: {  	[sflag:s17] =	ssyncset.done $0x0  }
0x2e: {  	s31 =	simm.s32 $0x200;
	[sflag:s17] =	ssyncadd.s32 $0xFFFFC000  }
0x2f: {  	[tilespmem:s14], [sflag:$0x1] =	stream.indirect.gather [hbm4b:s1+s13], $0x80, s31, s13, $0xb8;
	[tilespmem:$0x9C00] =	vst v63  }
0x30: {  	_ =	swait.ge [sflag:s19], $0x4000  }
0x31: {  	s25 =	sadd.s32 $0x0, s10;
	[sflag:s19] =	ssyncset.done $0x0  }
0x32: {  	s24 =	simm.s32 $0x300;
	s23 =	simm.s32 $0x1000;
	[sflag:s19] =	ssyncadd.s32 $0xFFFFC000  }
.LBB2_2:
0x33: {  	[hbm4b:s25+s3] =	stream.linear.scatter [tilespmem:s15], [sflag:$0x4], $0x4000, $0x38;
	[tilespmem:$0x9C00] =	vst v63  }
0x34: {  	s25 =	smov.u32 s23  }
0x35: {  	p0 =	sne.s32 s23, $0x16000;
	s23 =	sadd.s32 $0x1000, s23;
	_ =	swait.ge [sflag:s20], $0x4000  }
0x36: {  	[sflag:s20] =	ssyncset.done $0x0  }
0x37: {  	s26 =	sadd.s32 $0xFFFFFF80, s24;
	[sflag:s20] =	ssyncadd.s32 $0xFFFFC000  }
0x38: {  	[tilespmem:s15], [sflag:$0x2] =	stream.indirect.gather [hbm4b:s1+s13], $0x80, s26, s13, $0xb8;
	[tilespmem:$0x9C00] =	vst v63  }
0x39: {  	_ =	swait.ge [sflag:s16], $0x4000  }
0x3a: {  	[sflag:s16] =	ssyncset.done $0x0  }
0x3b: {  	s26 =	sadd.s32 s25, s11;
	[sflag:s16] =	ssyncadd.s32 $0xFFFFC000  }
0x3c: {  	[hbm4b:s26+s3] =	stream.linear.scatter [tilespmem:s14], [sflag:$0x3], $0x4000, $0x38;
	[tilespmem:$0x9C00] =	vst v63  }
0x3d: {  	_ =	swait.ge [sflag:s17], $0x4000  }
0x3e: {  	[sflag:s17] =	ssyncset.done $0x0  }
.Ltmp0:
0x3f: {  	[sflag:s17] =	ssyncadd.s32 $0xFFFFC000;
	(pc) =	sbr.rel @p0 .LBB2_2-.Ltmp0, $4  }
0x40: {  	[tilespmem:s14], [sflag:$0x1] =	stream.indirect.gather [hbm4b:s1+s13], $0x80, s24, s13, $0xb8;
	[tilespmem:$0x9C00] =	vst v63  }
0x41: {  	_ =	swait.ge [sflag:s19], $0x4000  }
0x42: {  	[sflag:s19] =	ssyncset.done $0x0  }
0x43: {  	s25 =	sadd.s32 s25, s10;
	s24 =	sadd.s32 $0x100, s24;
	[sflag:s19] =	ssyncadd.s32 $0xFFFFC000  }
0x44: {  	[hbm4b:s25+s3] =	stream.linear.scatter [tilespmem:s15], [sflag:$0x4], $0x4000, $0x38;
	[tilespmem:$0x9C00] =	vst v63  }
0x45: {  	_ =	swait.ge [sflag:s20], $0x4000  }
0x46: {  	[sflag:s20] =	ssyncset.done $0x0  }
0x47: {  	[sflag:s20] =	ssyncadd.s32 $0xFFFFC000  }
0x48: {  	[tilespmem:s15], [sflag:$0x2] =	stream.indirect.gather [hbm4b:s1+s13], $0x80, s21, s13, $0xb8;
	[tilespmem:$0x9C00] =	vst v63  }
0x49: {  	_ =	swait.ge [sflag:s16], $0x4000  }
0x4a: {  	[sflag:s16] =	ssyncset.done $0x0  }
0x4b: {  	[sflag:s16] =	ssyncadd.s32 $0xFFFFC000  }
0x4c: {  	[hbm4b:s8+s3] =	stream.linear.scatter [tilespmem:s14], [sflag:$0x3], $0x4000, $0x38;
	[tilespmem:$0x9C00] =	vst v63  }
0x4d: {  	_ =	swait.ge [sflag:s17], $0x4000  }
0x4e: {  	[sflag:s17] =	ssyncset.done $0x0  }
0x4f: {  	[sflag:s17] =	ssyncadd.s32 $0xFFFFC000  }
0x50: {  	s22 =	sadd.s32 $0x1, s22;
	_ =	swait.ge [sflag:s19], $0x4000  }
0x51: {  	p0 =	sne.s32 s22, s5;
	[sflag:s19] =	ssyncset.done $0x0  }
.Ltmp1:
0x52: {  	[sflag:s19] =	ssyncadd.s32 $0xFFFFC000;
	(pc) =	sbr.rel @p0 .LBB2_1-.Ltmp1, $4  }
0x53: {  	[hbm4b:s9+s3] =	stream.linear.scatter [tilespmem:s15], [sflag:$0x4], $0x4000, $0x38;
	[tilespmem:$0x9C00] =	vst v63  }
0x54: {  	_ =	swait.ge [sflag:s20], $0x4000  }
0x55: {  	[sflag:s20] =	ssyncset.done $0x0  }
0x56: {  	[sflag:s20] =	ssyncadd.s32 $0xFFFFC000  }
0x57: {  	_ =	sfence.sel $0x180000  }
0x58: {  	[bflag:$0x0] =	sbarrier.arrive $0xFFFF  }
0x59: {  	p0 =	sne.s32 s0, $0x0;
	_ =	strace $0x90000047  }
0x5a: {  	s0 =	sadd.s32 @!p0 $0x100000, s2;
	[bflag:$0x2] =	sbarrier.arrive $0xFFFF  }
0x5b: {  	[sflag:s0] =	ssyncadd.tile.s32 @!p0 $0x1;
	_ =	shalt  }
.Lfunc_end2:
_tile_overlayer_lowered:
.L_overlay_start_2:
0x5c: {  	(tag) =	ssettag $0x2  }
0x5d: {  	s0 =	rddreg [dreg:$0x0];
	s2 =	stileid.u32  }
0x5e: {  	s1 =	rddreg [dreg:$0x1];
	p0 =	sne.s32 s2, $0x0  }
0x5f: {  	s3 =	rddreg [dreg:$0x2];
	[bflag:$0x3] =	sbarrier.arrive $0xFFFF;
	s2 =	simm.s32 @!p0 $0x1C05  }
0x60: {  	[timem:s3], [sflag:s2] =	dma.local @!p0 [hbm:s0], s1  }
0x61: {  	s0 =	simm.s32 @!p0 $0x5  }
0x62: {  	_ =	swait.ge @!p0 [sflag:s0], s1  }
0x63: {  	s1 =	ssub.s32 @!p0 $0x0, s1;
	[sflag:s0] =	ssyncset.done @!p0 $0x0  }
0x64: {  	[sflag:s0] =	ssyncadd.s32 @!p0 s1  }
0x65: {  	[bflag:$0x3] =	sbarrier.arrive $0xFFFF  }
0x66: {  	_ =	shalt  }

</sc_bundles>
